<compile_context>
chip_gen: v7x
topology: tpu7x:2x2x1
jax: 0.10.2.dev20260603
libtpu: 0.0.44.dev20260713+nightly
codegen_flags: <defaults>
</compile_context>

<pallas_src>
import functools

import jax
import jax.numpy as jnp
from jax import lax
from jax.experimental import pallas as pl
from jax.experimental.pallas import tpu as pltpu
from jax.experimental.pallas import tpu_sc as plsc

N_NODES = 10000
N_EDGES = 320000
D = 128
NC = 2
NS = 16
NW = NC * NS
EPT = N_EDGES // NW
CH = 100
K = EPT // CH
NP = 10240
RPT = NP // NS


def _elu_body(g_ref, w_ref, out_ref):
    x = g_ref[...] * w_ref[...]
    out_ref[...] = jnp.where(x > 0, x, jnp.exp(jnp.minimum(x, 0.0)) - 1.0)


def _add_body(p_ref, out_ref):
    out_ref[...] = p_ref[0, :N_NODES] + p_ref[1, :N_NODES]


def _sc_body(src_hbm, dst_hbm, emb_hbm, out_hbm, src_v, dst_v, rows, acc,
             sem):
    cid = lax.axis_index("c")
    sid = lax.axis_index("s")
    wid = cid * NS + sid

    def zstore(t, carry):
        i = t // (D // 16)
        j = t % (D // 16)
        rows[i, pl.ds(j * 16, 16)] = jnp.zeros((16,), jnp.float32)
        return carry

    lax.fori_loop(0, CH * (D // 16), zstore, 0)

    row0 = sid * RPT
    for r in range(RPT // CH):
        pltpu.sync_copy(rows, acc.at[pl.ds(row0 + r * CH, CH)])
    rem = RPT % CH
    if rem:
        pltpu.sync_copy(rows.at[pl.ds(0, rem)],
                        acc.at[pl.ds(row0 + RPT - rem, rem)])
    plsc.subcore_barrier()

    pltpu.sync_copy(src_hbm.at[wid], src_v)
    pltpu.sync_copy(dst_hbm.at[wid], dst_v)

    def chunk(j, carry):
        pltpu.async_copy(emb_hbm.at[src_v.at[j]], rows, sem).wait()
        pltpu.sync_copy(rows, acc.at[dst_v.at[j]], add=True)
        return carry

    lax.fori_loop(0, K, chunk, 0)

    plsc.subcore_barrier()
    pltpu.sync_copy(acc.at[pl.ds(row0, RPT)],
                    out_hbm.at[cid, pl.ds(row0, RPT)])


_sc_scatter = functools.partial(
    pl.kernel,
    out_type=jax.ShapeDtypeStruct((NC, NP, D), jnp.float32),
    mesh=plsc.VectorSubcoreMesh(core_axis_name="c", subcore_axis_name="s"),
    scratch_types=[
        pltpu.VMEM((K, CH), jnp.int32),
        pltpu.VMEM((K, CH), jnp.int32),
        pltpu.VMEM((CH, D), jnp.float32),
        pltpu.VMEM_SHARED((NP, D), jnp.float32),
        pltpu.SemaphoreType.DMA,
    ],
)(_sc_body)


def kernel(edge_index, graph_embedding, weight):
    ei = edge_index.astype(jnp.int32)
    src = ei[0].reshape(NW, K, CH)
    dst = ei[1].reshape(NW, K, CH)

    emb = pl.pallas_call(
        _elu_body,
        out_shape=jax.ShapeDtypeStruct((N_NODES, D), jnp.float32),
    )(graph_embedding, weight)

    partials = _sc_scatter(src, dst, emb)

    out = pl.pallas_call(
        _add_body,
        out_shape=jax.ShapeDtypeStruct((N_NODES, D), jnp.float32),
    )(partials)
    return out

# --- scband reference (transcript-rebuilt; emitter-appended) ---
"""Pipeline reference for scband-node-prompt-layer-feature-weighted-sum-21534966022300 (READ-ONLY COPY).

The authoritative reference and input builder live on the scoring server;
editing this copy changes nothing except your own understanding.
"""

import jax, jax.numpy as jnp
import numpy as np

N_NODES = 10000
N_EDGES = 320000
D = 128


def setup_inputs(seed: int = 0) -> dict:
    key = jax.random.key(seed)
    k1, k2, k3 = jax.random.split(key, 3)
    edge_index = jax.random.randint(k1, (2, N_EDGES), 0, N_NODES, dtype=jnp.int64)
    graph_embedding = jax.random.normal(k2, (N_NODES, D), dtype=jnp.float32)
    # xavier_uniform for weight of shape (1, D): fan_in=D, fan_out=1
    limit = float(np.sqrt(6.0 / (D + 1)))
    weight = jax.random.uniform(k3, (1, D), dtype=jnp.float32, minval=-limit, maxval=limit)
    return {"edge_index": edge_index, "graph_embedding": graph_embedding, "weight": weight}


def reference(edge_index, graph_embedding, weight):
    # emb = F.elu(graph_embedding * self.weight)
    emb = jax.nn.elu(graph_embedding * weight)
    # update_all(copy_u('ft','m'), sum('m','ft')): out[dst] = sum over incoming edges of emb[src]
    src = edge_index[0]
    dst = edge_index[1]
    msgs = jnp.take(emb, src, axis=0)
    out = jax.ops.segment_sum(msgs, dst, num_segments=N_NODES)
    return out

if __name__ == "__main__":
    import jax
    _d = setup_inputs()
    print(jax.jit(kernel)(*tuple(_d.values())))

</pallas_src>

<mosaic_0001>
#map = affine_map<(d0, d1) -> (0, 0, 0)>
#map1 = affine_map<(d0, d1) -> (0, 0)>
module attributes {stable_mosaic.version = 14 : i64} {
  func.func @_sc_body(%arg0: i32, %arg1: i32, %arg2: memref<32x100x100xi32, #tpu.memory_space<hbm>>, %arg3: memref<32x100x100xi32, #tpu.memory_space<hbm>>, %arg4: memref<10000x128xf32, #tpu.memory_space<hbm>>, %arg5: memref<2x10240x128xf32, #tpu.memory_space<hbm>>, %arg6: memref<100x100xi32, #tpu.memory_space<vmem>>, %arg7: memref<100x100xi32, #tpu.memory_space<vmem>>, %arg8: memref<100x128xf32, #tpu.memory_space<vmem>>, %arg9: memref<10240x128xf32, #tpu.memory_space<vmem_shared>>, %arg10: memref<!tpu.dma_semaphore, #tpu.memory_space<semaphore_mem>>) attributes {dimension_semantics = [#tpu.dimension_semantics<core_parallel>, #tpu.dimension_semantics<subcore_parallel>], iteration_bounds = array<i64: 2, 16>, scalar_prefetch = 0 : i64, scratch_operands = 5 : i64, tpu.core_type = #tpu.core_type<sc_vector_subcore>, window_params = [{transform_indices = #map}, {transform_indices = #map}, {transform_indices = #map1}, {transform_indices = #map}]} {
    %mul3A = arith.constant 16 : i32
    %mul3A_0 = arith.muli %arg0, %mul3A : i32
    %add3A = arith.addi %mul3A_0, %arg1 : i32
    %scan3A = arith.constant 0 : i32
    %scan3A_1 = arith.constant 0 : i32
    %scan3A_2 = arith.constant 800 : i32
    %scan3A_3 = arith.addi %scan3A_1, %scan3A_2 : i32
    %scan3A_4 = arith.constant 1 : i32
    scf.for %scan3A_30 = %scan3A_1 to %scan3A_3 step %scan3A_4  : i32 {
      %jit3A = arith.constant 8 : i32
      %div3A = arith.divsi %scan3A_30, %jit3A : i32
      %sign3A = arith.constant 0 : i32
      %sign3A_31 = arith.cmpi sgt, %scan3A_30, %sign3A : i32
      %sign3A_32 = arith.extui %sign3A_31 : i1 to i32
      %sign3A_33 = arith.constant 0 : i32
      %sign3A_34 = arith.cmpi slt, %scan3A_30, %sign3A_33 : i32
      %sign3A_35 = arith.extui %sign3A_34 : i1 to i32
      %sign3A_36 = arith.subi %sign3A_32, %sign3A_35 : i32
      %sign3A_37 = arith.constant 0 : i32
      %sign3A_38 = arith.cmpi sgt, %jit3A, %sign3A_37 : i32
      %sign3A_39 = arith.extui %sign3A_38 : i1 to i32
      %sign3A_40 = arith.constant 0 : i32
      %sign3A_41 = arith.cmpi slt, %jit3A, %sign3A_40 : i32
      %sign3A_42 = arith.extui %sign3A_41 : i1 to i32
      %sign3A_43 = arith.subi %sign3A_39, %sign3A_42 : i32
      %ne3A = arith.cmpi ne, %sign3A_36, %sign3A_43 : i32
      %rem3A = arith.remsi %scan3A_30, %jit3A : i32
      %ne3A_44 = arith.constant 0 : i32
      %ne3A_45 = arith.cmpi ne, %rem3A, %ne3A_44 : i32
      %and3A = arith.andi %ne3A, %ne3A_45 : i1
      %sub3A_46 = arith.constant 1 : i32
      %sub3A_47 = arith.subi %div3A, %sub3A_46 : i32
      %select_n3A = arith.select %and3A, %sub3A_47, %div3A : i32
      %jit3A_48 = arith.constant 8 : i32
      %eq3A = arith.constant 0 : i32
      %eq3A_49 = arith.cmpi eq, %jit3A_48, %eq3A : i32
      %jit3A_50 = arith.constant 1 : i32
      %select_n3A_51 = arith.select %eq3A_49, %jit3A_50, %jit3A_48 : i32
      %rem3A_52 = arith.remsi %scan3A_30, %select_n3A_51 : i32
      %ne3A_53 = arith.constant 0 : i32
      %ne3A_54 = arith.cmpi ne, %rem3A_52, %ne3A_53 : i32
      %lt3A = arith.constant 0 : i32
      %lt3A_55 = arith.cmpi slt, %rem3A_52, %lt3A : i32
      %lt3A_56 = arith.constant 0 : i32
      %lt3A_57 = arith.cmpi slt, %select_n3A_51, %lt3A_56 : i32
      %ne3A_58 = arith.xori %lt3A_55, %lt3A_57 : i1
      %and3A_59 = arith.andi %ne3A_58, %ne3A_54 : i1
      %add3A_60 = arith.addi %rem3A_52, %select_n3A_51 : i32
      %select_n3A_61 = arith.select %and3A_59, %add3A_60, %rem3A_52 : i32
      %broadcast_in_dim3A = arith.constant 0.000000e+00 : f32
      %broadcast_in_dim3A_62 = vector.broadcast %broadcast_in_dim3A : f32 to vector<16xf32>
      %mul3A_63 = arith.constant 16 : i32
      %mul3A_64 = arith.muli %select_n3A_61, %mul3A_63 : i32
      %swap3A = arith.index_cast %select_n3A : i32 to index
      %swap3A_65 = arith.index_cast %mul3A_64 : i32 to index
      %swap3A_66 = tpu.vector_load %arg8[%swap3A, %swap3A_65] {strides = array<i32>} : memref<100x128xf32, #tpu.memory_space<vmem>>, vector<1x16xf32>,
      %swap3A_67 = vector.shape_cast %swap3A_66 : vector<1x16xf32> to vector<16xf32>
      %swap3A_68 = vector.shape_cast %broadcast_in_dim3A_62 : vector<16xf32> to vector<1x16xf32>
      tpu.vector_store %arg8[%swap3A, %swap3A_65], %swap3A_68 {strides = array<i32>} : memref<100x128xf32, #tpu.memory_space<vmem>>, vector<1x16xf32>,
    }
    %scan3A_5 = arith.constant 800 : i32
    %mul3A_6 = arith.constant 640 : i32
    %mul3A_7 = arith.muli %arg1, %mul3A_6 : i32
    %add3A_8 = arith.constant 0 : i32
    %add3A_9 = arith.addi %mul3A_7, %add3A_8 : i32
    "tpu.region"() ({
      %run_scoped3A = tpu.sem_alloc : memref<!tpu.dma_semaphore, #tpu.memory_space<semaphore_mem>>
      %dma_start3A = arith.constant 0 : i32
      %dma_start3A_30 = tpu.memref_slice %arg9[%add3A_9, %dma_start3A] : memref<10240x128xf32, #tpu.memory_space<vmem_shared>> -> memref<100x128xf32, #tpu.memory_space<vmem_shared>>
      %dma_start3A_31 = arith.constant 0 : i32
      %dma_start3A_32 = tpu.memref_slice %arg9[%add3A_9, %dma_start3A_31] : memref<10240x128xf32, #tpu.memory_space<vmem_shared>> -> memref<100x128xf32, #tpu.memory_space<vmem_shared>>
      tpu.enqueue_dma source(%arg8 : memref<100x128xf32, #tpu.memory_space<vmem>>) target(%dma_start3A_32 : memref<100x128xf32, #tpu.memory_space<vmem_shared>>) target_semaphore(%run_scoped3A : memref<!tpu.dma_semaphore, #tpu.memory_space<semaphore_mem>>)
      %dma_wait3A = arith.constant 0 : i32
      %dma_wait3A_33 = tpu.memref_slice %arg9[%add3A_9, %dma_wait3A] : memref<10240x128xf32, #tpu.memory_space<vmem_shared>> -> memref<100x128xf32, #tpu.memory_space<vmem_shared>>
      %dma_wait3A_34 = arith.constant 0 : i32
      %dma_wait3A_35 = tpu.memref_slice %arg9[%add3A_9, %dma_wait3A_34] : memref<10240x128xf32, #tpu.memory_space<vmem_shared>> -> memref<100x128xf32, #tpu.memory_space<vmem_shared>>
      tpu.wait_dma2 semaphore(%run_scoped3A : memref<!tpu.dma_semaphore, #tpu.memory_space<semaphore_mem>>) src(%arg8 : memref<100x128xf32, #tpu.memory_space<vmem>>) dst(%dma_wait3A_35 : memref<100x128xf32, #tpu.memory_space<vmem_shared>>)
      tpu.yield
    }) : () -> ()
    %add3A_10 = arith.constant 100 : i32
    %add3A_11 = arith.addi %mul3A_7, %add3A_10 : i32
    "tpu.region"() ({
      %run_scoped3A = tpu.sem_alloc : memref<!tpu.dma_semaphore, #tpu.memory_space<semaphore_mem>>
      %dma_start3A = arith.constant 0 : i32
      %dma_start3A_30 = tpu.memref_slice %arg9[%add3A_11, %dma_start3A] : memref<10240x128xf32, #tpu.memory_space<vmem_shared>> -> memref<100x128xf32, #tpu.memory_space<vmem_shared>>
      %dma_start3A_31 = arith.constant 0 : i32
      %dma_start3A_32 = tpu.memref_slice %arg9[%add3A_11, %dma_start3A_31] : memref<10240x128xf32, #tpu.memory_space<vmem_shared>> -> memref<100x128xf32, #tpu.memory_space<vmem_shared>>
      tpu.enqueue_dma source(%arg8 : memref<100x128xf32, #tpu.memory_space<vmem>>) target(%dma_start3A_32 : memref<100x128xf32, #tpu.memory_space<vmem_shared>>) target_semaphore(%run_scoped3A : memref<!tpu.dma_semaphore, #tpu.memory_space<semaphore_mem>>)
      %dma_wait3A = arith.constant 0 : i32
      %dma_wait3A_33 = tpu.memref_slice %arg9[%add3A_11, %dma_wait3A] : memref<10240x128xf32, #tpu.memory_space<vmem_shared>> -> memref<100x128xf32, #tpu.memory_space<vmem_shared>>
      %dma_wait3A_34 = arith.constant 0 : i32
      %dma_wait3A_35 = tpu.memref_slice %arg9[%add3A_11, %dma_wait3A_34] : memref<10240x128xf32, #tpu.memory_space<vmem_shared>> -> memref<100x128xf32, #tpu.memory_space<vmem_shared>>
      tpu.wait_dma2 semaphore(%run_scoped3A : memref<!tpu.dma_semaphore, #tpu.memory_space<semaphore_mem>>) src(%arg8 : memref<100x128xf32, #tpu.memory_space<vmem>>) dst(%dma_wait3A_35 : memref<100x128xf32, #tpu.memory_space<vmem_shared>>)
      tpu.yield
    }) : () -> ()
    %add3A_12 = arith.constant 200 : i32
    %add3A_13 = arith.addi %mul3A_7, %add3A_12 : i32
    "tpu.region"() ({
      %run_scoped3A = tpu.sem_alloc : memref<!tpu.dma_semaphore, #tpu.memory_space<semaphore_mem>>
      %dma_start3A = arith.constant 0 : i32
      %dma_start3A_30 = tpu.memref_slice %arg9[%add3A_13, %dma_start3A] : memref<10240x128xf32, #tpu.memory_space<vmem_shared>> -> memref<100x128xf32, #tpu.memory_space<vmem_shared>>
      %dma_start3A_31 = arith.constant 0 : i32
      %dma_start3A_32 = tpu.memref_slice %arg9[%add3A_13, %dma_start3A_31] : memref<10240x128xf32, #tpu.memory_space<vmem_shared>> -> memref<100x128xf32, #tpu.memory_space<vmem_shared>>
      tpu.enqueue_dma source(%arg8 : memref<100x128xf32, #tpu.memory_space<vmem>>) target(%dma_start3A_32 : memref<100x128xf32, #tpu.memory_space<vmem_shared>>) target_semaphore(%run_scoped3A : memref<!tpu.dma_semaphore, #tpu.memory_space<semaphore_mem>>)
      %dma_wait3A = arith.constant 0 : i32
      %dma_wait3A_33 = tpu.memref_slice %arg9[%add3A_13, %dma_wait3A] : memref<10240x128xf32, #tpu.memory_space<vmem_shared>> -> memref<100x128xf32, #tpu.memory_space<vmem_shared>>
      %dma_wait3A_34 = arith.constant 0 : i32
      %dma_wait3A_35 = tpu.memref_slice %arg9[%add3A_13, %dma_wait3A_34] : memref<10240x128xf32, #tpu.memory_space<vmem_shared>> -> memref<100x128xf32, #tpu.memory_space<vmem_shared>>
      tpu.wait_dma2 semaphore(%run_scoped3A : memref<!tpu.dma_semaphore, #tpu.memory_space<semaphore_mem>>) src(%arg8 : memref<100x128xf32, #tpu.memory_space<vmem>>) dst(%dma_wait3A_35 : memref<100x128xf32, #tpu.memory_space<vmem_shared>>)
      tpu.yield
    }) : () -> ()
    %add3A_14 = arith.constant 300 : i32
    %add3A_15 = arith.addi %mul3A_7, %add3A_14 : i32
    "tpu.region"() ({
      %run_scoped3A = tpu.sem_alloc : memref<!tpu.dma_semaphore, #tpu.memory_space<semaphore_mem>>
      %dma_start3A = arith.constant 0 : i32
      %dma_start3A_30 = tpu.memref_slice %arg9[%add3A_15, %dma_start3A] : memref<10240x128xf32, #tpu.memory_space<vmem_shared>> -> memref<100x128xf32, #tpu.memory_space<vmem_shared>>
      %dma_start3A_31 = arith.constant 0 : i32
      %dma_start3A_32 = tpu.memref_slice %arg9[%add3A_15, %dma_start3A_31] : memref<10240x128xf32, #tpu.memory_space<vmem_shared>> -> memref<100x128xf32, #tpu.memory_space<vmem_shared>>
      tpu.enqueue_dma source(%arg8 : memref<100x128xf32, #tpu.memory_space<vmem>>) target(%dma_start3A_32 : memref<100x128xf32, #tpu.memory_space<vmem_shared>>) target_semaphore(%run_scoped3A : memref<!tpu.dma_semaphore, #tpu.memory_space<semaphore_mem>>)
      %dma_wait3A = arith.constant 0 : i32
      %dma_wait3A_33 = tpu.memref_slice %arg9[%add3A_15, %dma_wait3A] : memref<10240x128xf32, #tpu.memory_space<vmem_shared>> -> memref<100x128xf32, #tpu.memory_space<vmem_shared>>
      %dma_wait3A_34 = arith.constant 0 : i32
      %dma_wait3A_35 = tpu.memref_slice %arg9[%add3A_15, %dma_wait3A_34] : memref<10240x128xf32, #tpu.memory_space<vmem_shared>> -> memref<100x128xf32, #tpu.memory_space<vmem_shared>>
      tpu.wait_dma2 semaphore(%run_scoped3A : memref<!tpu.dma_semaphore, #tpu.memory_space<semaphore_mem>>) src(%arg8 : memref<100x128xf32, #tpu.memory_space<vmem>>) dst(%dma_wait3A_35 : memref<100x128xf32, #tpu.memory_space<vmem_shared>>)
      tpu.yield
    }) : () -> ()
    %add3A_16 = arith.constant 400 : i32
    %add3A_17 = arith.addi %mul3A_7, %add3A_16 : i32
    "tpu.region"() ({
      %run_scoped3A = tpu.sem_alloc : memref<!tpu.dma_semaphore, #tpu.memory_space<semaphore_mem>>
      %dma_start3A = arith.constant 0 : i32
      %dma_start3A_30 = tpu.memref_slice %arg9[%add3A_17, %dma_start3A] : memref<10240x128xf32, #tpu.memory_space<vmem_shared>> -> memref<100x128xf32, #tpu.memory_space<vmem_shared>>
      %dma_start3A_31 = arith.constant 0 : i32
      %dma_start3A_32 = tpu.memref_slice %arg9[%add3A_17, %dma_start3A_31] : memref<10240x128xf32, #tpu.memory_space<vmem_shared>> -> memref<100x128xf32, #tpu.memory_space<vmem_shared>>
      tpu.enqueue_dma source(%arg8 : memref<100x128xf32, #tpu.memory_space<vmem>>) target(%dma_start3A_32 : memref<100x128xf32, #tpu.memory_space<vmem_shared>>) target_semaphore(%run_scoped3A : memref<!tpu.dma_semaphore, #tpu.memory_space<semaphore_mem>>)
      %dma_wait3A = arith.constant 0 : i32
      %dma_wait3A_33 = tpu.memref_slice %arg9[%add3A_17, %dma_wait3A] : memref<10240x128xf32, #tpu.memory_space<vmem_shared>> -> memref<100x128xf32, #tpu.memory_space<vmem_shared>>
      %dma_wait3A_34 = arith.constant 0 : i32
      %dma_wait3A_35 = tpu.memref_slice %arg9[%add3A_17, %dma_wait3A_34] : memref<10240x128xf32, #tpu.memory_space<vmem_shared>> -> memref<100x128xf32, #tpu.memory_space<vmem_shared>>
      tpu.wait_dma2 semaphore(%run_scoped3A : memref<!tpu.dma_semaphore, #tpu.memory_space<semaphore_mem>>) src(%arg8 : memref<100x128xf32, #tpu.memory_space<vmem>>) dst(%dma_wait3A_35 : memref<100x128xf32, #tpu.memory_space<vmem_shared>>)
      tpu.yield
    }) : () -> ()
    %add3A_18 = arith.constant 500 : i32
    %add3A_19 = arith.addi %mul3A_7, %add3A_18 : i32
    "tpu.region"() ({
      %run_scoped3A = tpu.sem_alloc : memref<!tpu.dma_semaphore, #tpu.memory_space<semaphore_mem>>
      %dma_start3A = arith.constant 0 : i32
      %dma_start3A_30 = tpu.memref_slice %arg9[%add3A_19, %dma_start3A] : memref<10240x128xf32, #tpu.memory_space<vmem_shared>> -> memref<100x128xf32, #tpu.memory_space<vmem_shared>>
      %dma_start3A_31 = arith.constant 0 : i32
      %dma_start3A_32 = tpu.memref_slice %arg9[%add3A_19, %dma_start3A_31] : memref<10240x128xf32, #tpu.memory_space<vmem_shared>> -> memref<100x128xf32, #tpu.memory_space<vmem_shared>>
      tpu.enqueue_dma source(%arg8 : memref<100x128xf32, #tpu.memory_space<vmem>>) target(%dma_start3A_32 : memref<100x128xf32, #tpu.memory_space<vmem_shared>>) target_semaphore(%run_scoped3A : memref<!tpu.dma_semaphore, #tpu.memory_space<semaphore_mem>>)
      %dma_wait3A = arith.constant 0 : i32
      %dma_wait3A_33 = tpu.memref_slice %arg9[%add3A_19, %dma_wait3A] : memref<10240x128xf32, #tpu.memory_space<vmem_shared>> -> memref<100x128xf32, #tpu.memory_space<vmem_shared>>
      %dma_wait3A_34 = arith.constant 0 : i32
      %dma_wait3A_35 = tpu.memref_slice %arg9[%add3A_19, %dma_wait3A_34] : memref<10240x128xf32, #tpu.memory_space<vmem_shared>> -> memref<100x128xf32, #tpu.memory_space<vmem_shared>>
      tpu.wait_dma2 semaphore(%run_scoped3A : memref<!tpu.dma_semaphore, #tpu.memory_space<semaphore_mem>>) src(%arg8 : memref<100x128xf32, #tpu.memory_space<vmem>>) dst(%dma_wait3A_35 : memref<100x128xf32, #tpu.memory_space<vmem_shared>>)
      tpu.yield
    }) : () -> ()
    %add3A_20 = arith.constant 640 : i32
    %add3A_21 = arith.addi %mul3A_7, %add3A_20 : i32
    %sub3A = arith.constant 40 : i32
    %sub3A_22 = arith.subi %add3A_21, %sub3A : i32
    "tpu.region"() ({
      %run_scoped3A = tpu.sem_alloc : memref<!tpu.dma_semaphore, #tpu.memory_space<semaphore_mem>>
      %dma_start3A = arith.constant 0 : i32
      %dma_start3A_30 = arith.constant 0 : i32
      %dma_start3A_31 = tpu.memref_slice %arg8[%dma_start3A, %dma_start3A_30] : memref<100x128xf32, #tpu.memory_space<vmem>> -> memref<40x128xf32, #tpu.memory_space<vmem>>
      %dma_start3A_32 = arith.constant 0 : i32
      %dma_start3A_33 = tpu.memref_slice %arg9[%sub3A_22, %dma_start3A_32] : memref<10240x128xf32, #tpu.memory_space<vmem_shared>> -> memref<40x128xf32, #tpu.memory_space<vmem_shared>>
      %dma_start3A_34 = arith.constant 0 : i32
      %dma_start3A_35 = tpu.memref_slice %arg9[%sub3A_22, %dma_start3A_34] : memref<10240x128xf32, #tpu.memory_space<vmem_shared>> -> memref<40x128xf32, #tpu.memory_space<vmem_shared>>
      %dma_start3A_36 = arith.constant 0 : i32
      %dma_start3A_37 = arith.constant 0 : i32
      %dma_start3A_38 = tpu.memref_slice %arg8[%dma_start3A_36, %dma_start3A_37] : memref<100x128xf32, #tpu.memory_space<vmem>> -> memref<40x128xf32, #tpu.memory_space<vmem>>
      tpu.enqueue_dma source(%dma_start3A_38 : memref<40x128xf32, #tpu.memory_space<vmem>>) target(%dma_start3A_35 : memref<40x128xf32, #tpu.memory_space<vmem_shared>>) target_semaphore(%run_scoped3A : memref<!tpu.dma_semaphore, #tpu.memory_space<semaphore_mem>>)
      %dma_wait3A = arith.constant 0 : i32
      %dma_wait3A_39 = arith.constant 0 : i32
      %dma_wait3A_40 = tpu.memref_slice %arg8[%dma_wait3A, %dma_wait3A_39] : memref<100x128xf32, #tpu.memory_space<vmem>> -> memref<40x128xf32, #tpu.memory_space<vmem>>
      %dma_wait3A_41 = arith.constant 0 : i32
      %dma_wait3A_42 = tpu.memref_slice %arg9[%sub3A_22, %dma_wait3A_41] : memref<10240x128xf32, #tpu.memory_space<vmem_shared>> -> memref<40x128xf32, #tpu.memory_space<vmem_shared>>
      %dma_wait3A_43 = arith.constant 0 : i32
      %dma_wait3A_44 = tpu.memref_slice %arg9[%sub3A_22, %dma_wait3A_43] : memref<10240x128xf32, #tpu.memory_space<vmem_shared>> -> memref<40x128xf32, #tpu.memory_space<vmem_shared>>
      %dma_wait3A_45 = arith.constant 0 : i32
      %dma_wait3A_46 = arith.constant 0 : i32
      %dma_wait3A_47 = tpu.memref_slice %arg8[%dma_wait3A_45, %dma_wait3A_46] : memref<100x128xf32, #tpu.memory_space<vmem>> -> memref<40x128xf32, #tpu.memory_space<vmem>>
      tpu.wait_dma2 semaphore(%run_scoped3A : memref<!tpu.dma_semaphore, #tpu.memory_space<semaphore_mem>>) src(%dma_wait3A_47 : memref<40x128xf32, #tpu.memory_space<vmem>>) dst(%dma_wait3A_44 : memref<40x128xf32, #tpu.memory_space<vmem_shared>>)
      tpu.yield
    }) : () -> ()
    %barrier3A = arith.constant 0 : index
    tpu.barrier barrier_id(%barrier3A)
    "tpu.region"() ({
      %run_scoped3A = tpu.sem_alloc : memref<!tpu.dma_semaphore, #tpu.memory_space<semaphore_mem>>
      %dma_start3A = arith.constant 0 : i32
      %dma_start3A_30 = arith.constant 0 : i32
      %dma_start3A_31 = tpu.memref_slice %arg2[%add3A, %dma_start3A, %dma_start3A_30] : memref<32x100x100xi32, #tpu.memory_space<hbm>> -> memref<1x100x100xi32, #tpu.memory_space<hbm>>
      %dma_start3A_32 = tpu.memref_squeeze %dma_start3A_31 : memref<1x100x100xi32, #tpu.memory_space<hbm>> -> memref<100x100xi32, #tpu.memory_space<hbm>>
      %dma_start3A_33 = arith.constant 0 : i32
      %dma_start3A_34 = arith.constant 0 : i32
      %dma_start3A_35 = tpu.memref_slice %arg2[%add3A, %dma_start3A_33, %dma_start3A_34] : memref<32x100x100xi32, #tpu.memory_space<hbm>> -> memref<1x100x100xi32, #tpu.memory_space<hbm>>
      %dma_start3A_36 = tpu.memref_squeeze %dma_start3A_35 : memref<1x100x100xi32, #tpu.memory_space<hbm>> -> memref<100x100xi32, #tpu.memory_space<hbm>>
      tpu.enqueue_dma source(%dma_start3A_36 : memref<100x100xi32, #tpu.memory_space<hbm>>) target(%arg6 : memref<100x100xi32, #tpu.memory_space<vmem>>) target_semaphore(%run_scoped3A : memref<!tpu.dma_semaphore, #tpu.memory_space<semaphore_mem>>)
      %dma_wait3A = arith.constant 0 : i32
      %dma_wait3A_37 = arith.constant 0 : i32
      %dma_wait3A_38 = tpu.memref_slice %arg2[%add3A, %dma_wait3A, %dma_wait3A_37] : memref<32x100x100xi32, #tpu.memory_space<hbm>> -> memref<1x100x100xi32, #tpu.memory_space<hbm>>
      %dma_wait3A_39 = tpu.memref_squeeze %dma_wait3A_38 : memref<1x100x100xi32, #tpu.memory_space<hbm>> -> memref<100x100xi32, #tpu.memory_space<hbm>>
      %dma_wait3A_40 = arith.constant 0 : i32
      %dma_wait3A_41 = arith.constant 0 : i32
      %dma_wait3A_42 = tpu.memref_slice %arg2[%add3A, %dma_wait3A_40, %dma_wait3A_41] : memref<32x100x100xi32, #tpu.memory_space<hbm>> -> memref<1x100x100xi32, #tpu.memory_space<hbm>>
      %dma_wait3A_43 = tpu.memref_squeeze %dma_wait3A_42 : memref<1x100x100xi32, #tpu.memory_space<hbm>> -> memref<100x100xi32, #tpu.memory_space<hbm>>
      tpu.wait_dma2 semaphore(%run_scoped3A : memref<!tpu.dma_semaphore, #tpu.memory_space<semaphore_mem>>) src(%dma_wait3A_43 : memref<100x100xi32, #tpu.memory_space<hbm>>) dst(%arg6 : memref<100x100xi32, #tpu.memory_space<vmem>>)
      tpu.yield
    }) : () -> ()
    "tpu.region"() ({
      %run_scoped3A = tpu.sem_alloc : memref<!tpu.dma_semaphore, #tpu.memory_space<semaphore_mem>>
      %dma_start3A = arith.constant 0 : i32
      %dma_start3A_30 = arith.constant 0 : i32
      %dma_start3A_31 = tpu.memref_slice %arg3[%add3A, %dma_start3A, %dma_start3A_30] : memref<32x100x100xi32, #tpu.memory_space<hbm>> -> memref<1x100x100xi32, #tpu.memory_space<hbm>>
      %dma_start3A_32 = tpu.memref_squeeze %dma_start3A_31 : memref<1x100x100xi32, #tpu.memory_space<hbm>> -> memref<100x100xi32, #tpu.memory_space<hbm>>
      %dma_start3A_33 = arith.constant 0 : i32
      %dma_start3A_34 = arith.constant 0 : i32
      %dma_start3A_35 = tpu.memref_slice %arg3[%add3A, %dma_start3A_33, %dma_start3A_34] : memref<32x100x100xi32, #tpu.memory_space<hbm>> -> memref<1x100x100xi32, #tpu.memory_space<hbm>>
      %dma_start3A_36 = tpu.memref_squeeze %dma_start3A_35 : memref<1x100x100xi32, #tpu.memory_space<hbm>> -> memref<100x100xi32, #tpu.memory_space<hbm>>
      tpu.enqueue_dma source(%dma_start3A_36 : memref<100x100xi32, #tpu.memory_space<hbm>>) target(%arg7 : memref<100x100xi32, #tpu.memory_space<vmem>>) target_semaphore(%run_scoped3A : memref<!tpu.dma_semaphore, #tpu.memory_space<semaphore_mem>>)
      %dma_wait3A = arith.constant 0 : i32
      %dma_wait3A_37 = arith.constant 0 : i32
      %dma_wait3A_38 = tpu.memref_slice %arg3[%add3A, %dma_wait3A, %dma_wait3A_37] : memref<32x100x100xi32, #tpu.memory_space<hbm>> -> memref<1x100x100xi32, #tpu.memory_space<hbm>>
      %dma_wait3A_39 = tpu.memref_squeeze %dma_wait3A_38 : memref<1x100x100xi32, #tpu.memory_space<hbm>> -> memref<100x100xi32, #tpu.memory_space<hbm>>
      %dma_wait3A_40 = arith.constant 0 : i32
      %dma_wait3A_41 = arith.constant 0 : i32
      %dma_wait3A_42 = tpu.memref_slice %arg3[%add3A, %dma_wait3A_40, %dma_wait3A_41] : memref<32x100x100xi32, #tpu.memory_space<hbm>> -> memref<1x100x100xi32, #tpu.memory_space<hbm>>
      %dma_wait3A_43 = tpu.memref_squeeze %dma_wait3A_42 : memref<1x100x100xi32, #tpu.memory_space<hbm>> -> memref<100x100xi32, #tpu.memory_space<hbm>>
      tpu.wait_dma2 semaphore(%run_scoped3A : memref<!tpu.dma_semaphore, #tpu.memory_space<semaphore_mem>>) src(%dma_wait3A_43 : memref<100x100xi32, #tpu.memory_space<hbm>>) dst(%arg7 : memref<100x100xi32, #tpu.memory_space<vmem>>)
      tpu.yield
    }) : () -> ()
    %scan3A_23 = arith.constant 0 : i32
    %scan3A_24 = arith.constant 0 : i32
    %scan3A_25 = arith.constant 100 : i32
    %scan3A_26 = arith.addi %scan3A_24, %scan3A_25 : i32
    %scan3A_27 = arith.constant 1 : i32
    scf.for %scan3A_30 = %scan3A_24 to %scan3A_26 step %scan3A_27  : i32 {
      %dma_start3A = arith.constant 0 : i32
      %dma_start3A_31 = tpu.memref_slice %arg6[%scan3A_30, %dma_start3A] : memref<100x100xi32, #tpu.memory_space<vmem>> -> memref<1x100xi32, #tpu.memory_space<vmem>>
      %dma_start3A_32 = tpu.memref_squeeze %dma_start3A_31 : memref<1x100xi32, #tpu.memory_space<vmem>> -> memref<100xi32, #tpu.memory_space<vmem>>
      %dma_start3A_33 = arith.constant 0 : i32
      %dma_start3A_34 = arith.constant 0 : i32
      %dma_start3A_35 = tpu.memref_slice %arg4[%dma_start3A_33, %dma_start3A_34] : memref<10000x128xf32, #tpu.memory_space<hbm>> -> memref<10000x128xf32, #tpu.memory_space<hbm>>
      tpu.enqueue_indirect_dma source(%dma_start3A_35 : memref<10000x128xf32, #tpu.memory_space<hbm>>) target(%arg8 : memref<100x128xf32, #tpu.memory_space<vmem>>) offsets(%dma_start3A_32 : memref<100xi32, #tpu.memory_space<vmem>>) semaphore(%arg10 : memref<!tpu.dma_semaphore, #tpu.memory_space<semaphore_mem>>)
      %dma_wait3A = arith.constant 0 : i32
      %dma_wait3A_36 = tpu.memref_slice %arg6[%scan3A_30, %dma_wait3A] : memref<100x100xi32, #tpu.memory_space<vmem>> -> memref<1x100xi32, #tpu.memory_space<vmem>>
      %dma_wait3A_37 = tpu.memref_squeeze %dma_wait3A_36 : memref<1x100xi32, #tpu.memory_space<vmem>> -> memref<100xi32, #tpu.memory_space<vmem>>
      %dma_wait3A_38 = arith.constant 0 : i32
      %dma_wait3A_39 = arith.constant 0 : i32
      %dma_wait3A_40 = tpu.memref_slice %arg4[%dma_wait3A_38, %dma_wait3A_39] : memref<10000x128xf32, #tpu.memory_space<hbm>> -> memref<10000x128xf32, #tpu.memory_space<hbm>>
      tpu.wait_indirect_dma semaphore(%arg10 : memref<!tpu.dma_semaphore, #tpu.memory_space<semaphore_mem>>) src(%dma_wait3A_40 : memref<10000x128xf32, #tpu.memory_space<hbm>>) dst(%arg8 : memref<100x128xf32, #tpu.memory_space<vmem>>)
      "tpu.region"() ({
        %run_scoped3A = tpu.sem_alloc : memref<!tpu.dma_semaphore, #tpu.memory_space<semaphore_mem>>
        %dma_start3A_41 = arith.constant 0 : i32
        %dma_start3A_42 = tpu.memref_slice %arg7[%scan3A_30, %dma_start3A_41] : memref<100x100xi32, #tpu.memory_space<vmem>> -> memref<1x100xi32, #tpu.memory_space<vmem>>
        %dma_start3A_43 = tpu.memref_squeeze %dma_start3A_42 : memref<1x100xi32, #tpu.memory_space<vmem>> -> memref<100xi32, #tpu.memory_space<vmem>>
        %dma_start3A_44 = arith.constant 0 : i32
        %dma_start3A_45 = arith.constant 0 : i32
        %dma_start3A_46 = tpu.memref_slice %arg9[%dma_start3A_44, %dma_start3A_45] : memref<10240x128xf32, #tpu.memory_space<vmem_shared>> -> memref<10240x128xf32, #tpu.memory_space<vmem_shared>>
        tpu.enqueue_indirect_dma source(%arg8 : memref<100x128xf32, #tpu.memory_space<vmem>>) target(%dma_start3A_46 : memref<10240x128xf32, #tpu.memory_space<vmem_shared>>) offsets(%dma_start3A_43 : memref<100xi32, #tpu.memory_space<vmem>>) semaphore(%run_scoped3A : memref<!tpu.dma_semaphore, #tpu.memory_space<semaphore_mem>>) {add = true}
        %dma_wait3A_47 = arith.constant 0 : i32
        %dma_wait3A_48 = tpu.memref_slice %arg7[%scan3A_30, %dma_wait3A_47] : memref<100x100xi32, #tpu.memory_space<vmem>> -> memref<1x100xi32, #tpu.memory_space<vmem>>
        %dma_wait3A_49 = tpu.memref_squeeze %dma_wait3A_48 : memref<1x100xi32, #tpu.memory_space<vmem>> -> memref<100xi32, #tpu.memory_space<vmem>>
        %dma_wait3A_50 = arith.constant 0 : i32
        %dma_wait3A_51 = arith.constant 0 : i32
        %dma_wait3A_52 = tpu.memref_slice %arg9[%dma_wait3A_50, %dma_wait3A_51] : memref<10240x128xf32, #tpu.memory_space<vmem_shared>> -> memref<10240x128xf32, #tpu.memory_space<vmem_shared>>
        tpu.wait_indirect_dma semaphore(%run_scoped3A : memref<!tpu.dma_semaphore, #tpu.memory_space<semaphore_mem>>) src(%arg8 : memref<100x128xf32, #tpu.memory_space<vmem>>) dst(%dma_wait3A_52 : memref<10240x128xf32, #tpu.memory_space<vmem_shared>>)
        tpu.yield
      }) : () -> ()
    }
    %scan3A_28 = arith.constant 100 : i32
    %barrier3A_29 = arith.constant 0 : index
    tpu.barrier barrier_id(%barrier3A_29)
    "tpu.region"() ({
      %run_scoped3A = tpu.sem_alloc : memref<!tpu.dma_semaphore, #tpu.memory_space<semaphore_mem>>
      %dma_start3A = arith.constant 0 : i32
      %dma_start3A_30 = tpu.memref_slice %arg5[%arg0, %mul3A_7, %dma_start3A] : memref<2x10240x128xf32, #tpu.memory_space<hbm>> -> memref<1x640x128xf32, #tpu.memory_space<hbm>>
      %dma_start3A_31 = tpu.memref_squeeze %dma_start3A_30 : memref<1x640x128xf32, #tpu.memory_space<hbm>> -> memref<640x128xf32, #tpu.memory_space<hbm>>
      %dma_start3A_32 = arith.constant 0 : i32
      %dma_start3A_33 = tpu.memref_slice %arg9[%mul3A_7, %dma_start3A_32] : memref<10240x128xf32, #tpu.memory_space<vmem_shared>> -> memref<640x128xf32, #tpu.memory_space<vmem_shared>>
      tpu.enqueue_dma source(%dma_start3A_33 : memref<640x128xf32, #tpu.memory_space<vmem_shared>>) target(%dma_start3A_31 : memref<640x128xf32, #tpu.memory_space<hbm>>) target_semaphore(%run_scoped3A : memref<!tpu.dma_semaphore, #tpu.memory_space<semaphore_mem>>)
      %dma_wait3A = arith.constant 0 : i32
      %dma_wait3A_34 = tpu.memref_slice %arg5[%arg0, %mul3A_7, %dma_wait3A] : memref<2x10240x128xf32, #tpu.memory_space<hbm>> -> memref<1x640x128xf32, #tpu.memory_space<hbm>>
      %dma_wait3A_35 = tpu.memref_squeeze %dma_wait3A_34 : memref<1x640x128xf32, #tpu.memory_space<hbm>> -> memref<640x128xf32, #tpu.memory_space<hbm>>
      %dma_wait3A_36 = arith.constant 0 : i32
      %dma_wait3A_37 = tpu.memref_slice %arg9[%mul3A_7, %dma_wait3A_36] : memref<10240x128xf32, #tpu.memory_space<vmem_shared>> -> memref<640x128xf32, #tpu.memory_space<vmem_shared>>
      tpu.wait_dma2 semaphore(%run_scoped3A : memref<!tpu.dma_semaphore, #tpu.memory_space<semaphore_mem>>) src(%dma_wait3A_37 : memref<640x128xf32, #tpu.memory_space<vmem_shared>>) dst(%dma_wait3A_35 : memref<640x128xf32, #tpu.memory_space<hbm>>)
      tpu.yield
    }) : () -> ()
    return
  }
}

module attributes {stable_mosaic.version = 14 : i64} {
  func.func @_add_body(%arg0: memref<2x10240x128xf32, #tpu.memory_space<vmem>>, %arg1: memref<10000x128xf32, #tpu.memory_space<vmem>>) attributes {dimension_semantics = [], scalar_prefetch = 0 : i64, scratch_operands = 0 : i64, tpu.core_type = #tpu.core_type<tc>} {
    %get3A = arith.constant 0 : index
    %get3A_0 = arith.constant 0 : index
    %get3A_1 = arith.constant 0 : index
    %get3A_2 = vector.load %arg0[%get3A, %get3A_0, %get3A_1] : memref<2x10240x128xf32, #tpu.memory_space<vmem>>, vector<1x10000x128xf32>
    %get3A_3 = vector.shape_cast %get3A_2 : vector<1x10000x128xf32> to vector<10000x128xf32>
    %get3A_4 = arith.constant 1 : index
    %get3A_5 = arith.constant 0 : index
    %get3A_6 = arith.constant 0 : index
    %get3A_7 = vector.load %arg0[%get3A_4, %get3A_5, %get3A_6] : memref<2x10240x128xf32, #tpu.memory_space<vmem>>, vector<1x10000x128xf32>
    %get3A_8 = vector.shape_cast %get3A_7 : vector<1x10000x128xf32> to vector<10000x128xf32>
    %add3A = arith.addf %get3A_3, %get3A_8 : vector<10000x128xf32>
    %swap3A = arith.constant 0 : index
    %swap3A_9 = arith.constant 0 : index
    %swap3A_10 = vector.load %arg1[%swap3A, %swap3A_9] : memref<10000x128xf32, #tpu.memory_space<vmem>>, vector<10000x128xf32>
    tpu.vector_store %arg1[%swap3A, %swap3A_9], %add3A {strides = array<i32>} : memref<10000x128xf32, #tpu.memory_space<vmem>>, vector<10000x128xf32>,
    return
  }
}

module attributes {stable_mosaic.version = 14 : i64} {
  func.func @_elu_body(%arg0: memref<10000x128xf32, #tpu.memory_space<vmem>>, %arg1: memref<1x128xf32, #tpu.memory_space<vmem>>, %arg2: memref<10000x128xf32, #tpu.memory_space<vmem>>) attributes {dimension_semantics = [], scalar_prefetch = 0 : i64, scratch_operands = 0 : i64, tpu.core_type = #tpu.core_type<tc>} {
    %get3A = arith.constant 0 : index
    %get3A_0 = arith.constant 0 : index
    %get3A_1 = vector.load %arg0[%get3A, %get3A_0] : memref<10000x128xf32, #tpu.memory_space<vmem>>, vector<10000x128xf32>
    %get3A_2 = arith.constant 0 : index
    %get3A_3 = arith.constant 0 : index
    %get3A_4 = vector.load %arg1[%get3A_2, %get3A_3] : memref<1x128xf32, #tpu.memory_space<vmem>>, vector<1x128xf32>
    %mul3A = vector.broadcast %get3A_4 : vector<1x128xf32> to vector<10000x128xf32>
    %mul3A_5 = arith.mulf %get3A_1, %mul3A : vector<10000x128xf32>
    %gt3A = arith.constant 0.000000e+00 : f32
    %gt3A_6 = vector.broadcast %gt3A : f32 to vector<10000x128xf32>
    %gt3A_7 = arith.cmpf ogt, %mul3A_5, %gt3A_6 : vector<10000x128xf32>
    %min3A = arith.constant 0.000000e+00 : f32
    %min3A_8 = vector.broadcast %min3A : f32 to vector<10000x128xf32>
    %min3A_9 = arith.minimumf %mul3A_5, %min3A_8 : vector<10000x128xf32>
    %exp3A = math.exp %min3A_9 : vector<10000x128xf32>
    %sub3A = arith.constant 1.000000e+00 : f32
    %sub3A_10 = vector.broadcast %sub3A : f32 to vector<10000x128xf32>
    %sub3A_11 = arith.subf %exp3A, %sub3A_10 : vector<10000x128xf32>
    %select_n3A = arith.select %gt3A_7, %mul3A_5, %sub3A_11 : vector<10000x128xi1>, vector<10000x128xf32>
    %swap3A = arith.constant 0 : index
    %swap3A_12 = arith.constant 0 : index
    %swap3A_13 = vector.load %arg2[%swap3A, %swap3A_12] : memref<10000x128xf32, #tpu.memory_space<vmem>>, vector<10000x128xf32>
    tpu.vector_store %arg2[%swap3A, %swap3A_12], %select_n3A {strides = array<i32>} : memref<10000x128xf32, #tpu.memory_space<vmem>>, vector<10000x128xf32>,
    return
  }
}

</mosaic_0001>

<sc_bundles>
// kernel: kernel.5.cloned.1.call-start
scs
__scs_entry_jumppad:
0x0: {  	(pc) =	sbr.rel $0x88, $3  }
0x1: {  	(tag) =	ssettag $0x0;
	lr =	simm.s32 $0x1  }
0x2: {  	[smem:$0x3F9E] =	sst lr;
	_ =	strace $0xD0000000  }
0x3: {  	_ = 	snop  }
0x4: {  	_ = 	snop  }
0x5: {  	_ = 	snop  }
0x6: {  	_ = 	snop  }
0x7: {  	_ = 	snop  }
__scs_overlays_trampoline_lowered:
0x8: {  	[smem:$0x3FAD] =	sst s0  }
0x9: {  	[smem:$0x3FAE] =	sst s1  }
0xa: {  	[smem:$0x3FAF] =	sst s2  }
0xb: {  	[smem:$0x3FB0] =	sst s3  }
0xc: {  	[smem:$0x3FB1] =	sst s4  }
0xd: {  	[smem:$0x3FB2] =	sst s5  }
0xe: {  	[smem:$0x3FB3] =	sst s6  }
0xf: {  	[smem:$0x3FB4] =	sst s7  }
0x10: {  	[smem:$0x3FB5] =	sst s8  }
0x11: {  	[smem:$0x3FB6] =	sst s9;
	s0 =	simm.s32 @!p0 $0x0  }
0x12: {  	s1 =	sld [smem:$0x3F9C];
	s0 =	simm.s32 @p0 $0x1  }
0x13: {  	[smem:$0x3FB7] =	sst s0;
	s0 =	simm.s32 @!p1 $0x0  }
0x14: {  	s2 =	sld [smem:$0x3F9B];
	s0 =	simm.s32 @p1 $0x1  }
0x15: {  	[smem:$0x3FB8] =	sst s0;
	s0 =	simm.s32 @!p2 $0x0  }
0x16: {  	s3 =	sld [smem:$0x3FDB];
	s0 =	simm.s32 @p2 $0x1  }
0x17: {  	s4 =	simm.s32 $0x1BF5;
	[smem:$0x3FBA] =	sst s0  }
0x18: {  	s0 =	sld [smem:$0x3F9D];
	_ =	swait.ge [sflag:s4], $0x0  }
0x19: {  	s7 =	sld [smem:$0x3F9E]  }
0x1a: {  	s8 =	sadd.s32 $0xFFFFE003, lr  }
0x1b: {  	s9 =	sadd.s32 $0xFFFFFEF7, lr;
	s5 =	simm.s32 $0xFFFFFFFF;
	p2 =	slt.u32 s8, $0xFFFFF086  }
0x1c: {  	p1 =	slt.u32 s9, $0xF7A;
	s5 =	simm.s32 @!p2 $0x0  }
0x1d: {  	s5 =	simm.s32 @p1 $0x1;
	p0 =	seq.s32 s7, s2  }
0x1e: {  	s7 =	smul.u32 @!p0 $0xF7A, s2;
	p2 =	seq.s32 @!p0 s5, $0x0  }
0x1f: {  	s9 =	smul.u32 $0xF7A, s1;
	s8 =	simm.s32 @!p0 $0x1BF5;
	p2 =	por !p2, p0  }
0x20: {  	[sflag:s8] =	ssyncset.s32 @!p0 $0xFFFFF086;
	s6 =	sadd.s32 @!p0 s3, s7;
	s7 =	simm.s32 @!p0 $0x108  }
0x21: {  	s3 =	sadd.s32 s3, s9;
	s6 =	sadd.s32 @!p0 $0x88, s6;
	s7 =	simm.s32 @p2 $0x1082  }
0x22: {  	[simem:s7], [sflag:s8] =	dma.local @!p0 [hbm:s6], $0xF7A  }
0x23: {  	s9 =	sor.u32 $0xD0000000, s2;
	s6 =	simm.s32 $0x108;
	_ =	swait.ge @!p0 [sflag:s8], $0x0  }
0x24: {  	s3 =	sadd.s32 $0x88, s3;
	s6 =	simm.s32 @!p1 $0x1082;
	[sflag:s4] =	ssyncset.s32 $0xFFFFF086  }
0x25: {  	[simem:s6], [sflag:s4] =	dma.local [hbm:s3], $0xF7A  }
0x26: {  	[smem:$0x3F9E] =	sst s1;
	(tag) =	ssettag s2;
	_ =	strace s9  }
0x27: {  	s1 =	sld [smem:$0x3FAE]  }
0x28: {  	s2 =	sld [smem:$0x3FAF]  }
0x29: {  	s4 =	sld [smem:$0x3FB1]  }
0x2a: {  	p0 =	seq.s32 s5, $0x0;
	s5 =	sld [smem:$0x3FB2]  }
0x2b: {  	s6 =	sld [smem:$0x3FB3]  }
0x2c: {  	s7 =	sld [smem:$0x3FB4]  }
0x2d: {  	s3 =	simm.s32 $0x108;
	s8 =	sld [smem:$0x3FB5]  }
0x2e: {  	s3 =	simm.s32 @!p0 $0x1082;
	s9 =	sld [smem:$0x3FB6]  }
0x2f: {  	lr =	sadd.s32 s0, s3;
	s0 =	sld [smem:$0x3FAD]  }
0x30: {  	s3 =	sld [smem:$0x3FB0]  }
0x31: {  	[smem:$0x3FB9] =	sst s10  }
0x32: {  	s10 =	sld [smem:$0x3FB7];
	_ =	sdelay $0x3  }
0x33: {  	p0 =	seq.s32 s10, $0x1;
	s10 =	sld [smem:$0x3FB9];
	_ =	sdelay $0x3  }
0x34: {  	[smem:$0x3FB9] =	sst s10  }
0x35: {  	s10 =	sld [smem:$0x3FB8];
	_ =	sdelay $0x3  }
0x36: {  	p1 =	seq.s32 s10, $0x1;
	s10 =	sld [smem:$0x3FB9];
	_ =	sdelay $0x3  }
0x37: {  	[smem:$0x3FB9] =	sst s10  }
0x38: {  	s10 =	sld [smem:$0x3FBA]  }
0x39: {  	_ = 	snop;
	(pc) =	sbr.ind lr, $3  }
0x3a: {  	_ = 	snop  }
0x3b: {  	_ = 	snop  }
0x3c: {  	p2 =	seq.s32 s10, $0x1;
	s10 =	sld [smem:$0x3FB9]  }
0x3d: {  	_ =	shalt  }
0x3e: {  	_ =	shalt  }
0x3f: {  	_ =	shalt  }
0x40: {  	_ =	shalt  }
0x41: {  	_ =	shalt  }
0x42: {  	_ =	shalt  }
0x43: {  	_ =	shalt  }
0x44: {  	_ =	shalt  }
0x45: {  	_ =	shalt  }
0x46: {  	_ =	shalt  }
0x47: {  	_ =	shalt  }
0x48: {  	_ =	shalt  }
0x49: {  	_ =	shalt  }
0x4a: {  	_ =	shalt  }
0x4b: {  	_ =	shalt  }
0x4c: {  	_ =	shalt  }
0x4d: {  	_ =	shalt  }
0x4e: {  	_ =	shalt  }
0x4f: {  	_ =	shalt  }
0x50: {  	_ =	shalt  }
0x51: {  	_ =	shalt  }
0x52: {  	_ =	shalt  }
0x53: {  	_ =	shalt  }
0x54: {  	_ =	shalt  }
0x55: {  	_ =	shalt  }
0x56: {  	_ =	shalt  }
0x57: {  	_ =	shalt  }
0x58: {  	_ =	shalt  }
0x59: {  	_ =	shalt  }
0x5a: {  	_ =	shalt  }
0x5b: {  	_ =	shalt  }
0x5c: {  	_ =	shalt  }
0x5d: {  	_ =	shalt  }
0x5e: {  	_ =	shalt  }
0x5f: {  	_ =	shalt  }
0x60: {  	_ =	shalt  }
0x61: {  	_ =	shalt  }
0x62: {  	_ =	shalt  }
0x63: {  	_ =	shalt  }
0x64: {  	_ =	shalt  }
0x65: {  	_ =	shalt  }
0x66: {  	_ =	shalt  }
0x67: {  	_ =	shalt  }
0x68: {  	_ =	shalt  }
0x69: {  	_ =	shalt  }
0x6a: {  	_ =	shalt  }
0x6b: {  	_ =	shalt  }
0x6c: {  	_ =	shalt  }
0x6d: {  	_ =	shalt  }
0x6e: {  	_ =	shalt  }
0x6f: {  	_ =	shalt  }
0x70: {  	_ =	shalt  }
0x71: {  	_ =	shalt  }
0x72: {  	_ =	shalt  }
0x73: {  	_ =	shalt  }
0x74: {  	_ =	shalt  }
0x75: {  	_ =	shalt  }
0x76: {  	_ =	shalt  }
0x77: {  	_ =	shalt  }
0x78: {  	_ =	shalt  }
0x79: {  	_ =	shalt  }
0x7a: {  	_ =	shalt  }
0x7b: {  	_ =	shalt  }
0x7c: {  	_ =	shalt  }
0x7d: {  	_ =	shalt  }
0x7e: {  	_ =	shalt  }
0x7f: {  	_ =	shalt  }
0x80: {  	_ =	shalt  }
0x81: {  	_ =	shalt  }
0x82: {  	_ =	shalt  }
0x83: {  	_ =	shalt  }
0x84: {  	_ =	shalt  }
0x85: {  	_ =	shalt  }
0x86: {  	_ =	shalt  }
0x87: {  	_ =	shalt  }
.Lfunc_end0:
.L_simem_size_0:
called_computation_lowered:
.L_overlay_start_0:
0x88: {  	s2 =	sld [smem:$0x3FD9]  }
0x89: {  	s3 =	sld [smem:$0x3FFE];
	_ =	sdelay $0x1  }
0x8a: {  	s1 =	srdreg.scid  }
0x8b: {  	s0 =	sand.u32 $0x1, s1  }
0x8c: {  	s17 =	sshll.u32 s0, $0xA;
	s2 =	sadd.s32 s3, s2  }
0x8d: {  	s2 =	sadd.s32 s2, s17  }
0x8e: {  	[smem:$0x3FC5] =	sst s2  }
0x8f: {  	_ = 	snop  }
0x90: {  	s2 =	sld [smem:$0x3FD0];
	(tm) =	ssettm $0x1  }
0x91: {  	s18 =	sld [smem:$0x3FFB];
	_ =	sdelay $0x3  }
0x92: {  	_ =	strace s18  }
0x93: {  	s3 =	sld [smem:$0x3FFC];
	_ =	sdelay $0x3  }
0x94: {  	_ =	strace s3  }
0x95: {  	s3 =	sld [smem:$0x3FFD];
	_ =	sdelay $0x3  }
0x96: {  	_ =	strace s3  }
0x97: {  	_ =	strace $0x8FFFFFFF  }
0x98: {  	s19 =	sld [smem:$0x3FDB];
	_ =	sdelay $0x1  }
0x99: {  	s4 =	simm.s32 $_scs_section_size  }
0x9a: {  	s5 =	simm.s32 $_size__tile_overlayer_lowered;
	s6 =	simm.s32 $_tile_overlayer_lowered  }
0x9b: {  	s22 =	simm.s32 $0x1BFF;
	s21 =	sshll.u32 s6, $0x1;
	s3 =	sadd.s32 s4, s19  }
0x9c: {  	s7 =	simm.s32 $0x0;
	s20 =	sshll.u32 s5, $0x1;
	s5 =	sadd.s32 s21, s3  }
0x9d: {  	[timem:s7], [sflag:s22] =	dma.local [hbm:s5], s20  }
0x9e: {  	_ =	swait.ge [sflag:s22], s20  }
0x9f: {  	s4 =	ssub.s32 $0x0, s20;
	[sflag:s22] =	ssyncset.done $0x0  }
0xa0: {  	[sflag:s22] =	ssyncadd.s32 s4;
	_ =	sdelay $0x1  }
0xa1: {  	s23 =	simm.s32 $0x1B8B  }
0xa2: {  	_ =	swait.ge [sflag:s23], $0x1  }
0xa3: {  	[sflag:s23] =	ssyncset.done $0x0  }
0xa4: {  	s25 =	simm.s32 $0x1B8E;
	s24 =	sld [smem:$0x3FFE];
	[sflag:s23] =	ssyncadd.s32 $0xFFFFFFFF  }
0xa5: {  	s26 =	simm.s32 $execute0_lowered;
	[smem:$0x3FD2] =	sst s25  }
0xa6: {  	s5 =	sshll.u32 s26, $0x1;
	_ =	strace $0x80000046;
	[dreg:$0x1] =	wrdreg $0xFFFFFFFF  }
0xa7: {  	s28 =	simm.s32 $_size_execute0_lowered;
	s3 =	sadd.s32 s3, s5;
	[dreg:$0x0] =	wrdreg $0x0  }
0xa8: {  	s5 =	sshll.u32 s28, $0x1;
	[dreg:$0x2] =	wrdreg s3  }
0xa9: {  	[dreg:$0x3] =	wrdreg s5  }
0xaa: {  	[dreg:$0x4] =	wrdreg $0xC0  }
0xab: {  	_ =	task [dreg:s7], $0x5FFFF  }
0xac: {  	[dreg:$0x1] =	wrdreg $0xFFFFFFFF  }
0xad: {  	[dreg:$0x0] =	wrdreg $0x60  }
0xae: {  	[dreg:$0x2] =	wrdreg s24  }
0xaf: {  	[dreg:$0x3] =	wrdreg s2  }
0xb0: {  	[dreg:$0x4] =	wrdreg $0x9C000  }
0xb1: {  	[dreg:$0x5] =	wrdreg $0x9  }
0xb2: {  	_ =	task.clear_ibuf [dreg:s7], $0x6FFFF;
	_ =	strace $0x90000046  }
0xb3: {  	s29 =	simm.s32 $0x9;
	_ =	strace $0x80000048  }
0xb4: {  	_ =	swait.ge [sflag:s29], $0x1  }
0xb5: {  	[sflag:s29] =	ssyncadd.s32 $0xFFFFFFFF  }
0xb6: {  	_ =	strace $0x90000048  }
0xb7: {  	_ =	sfence  }
0xb8: {  	s30 =	sld [smem:$0x0];
	_ =	sdelay $0x2  }
0xb9: {  	s31 =	sshll.u32 s1, $0xD;
	s1 =	sshrl.u32 s1, $0x2  }
0xba: {  	s3 =	sand.u32 $0x4000, s31;
	s1 =	sadd.s32 s1, s30  }
0xbb: {  	s0 =	sor.u32 s3, s0;
	s1 =	sshll.u32 s1, $0x11  }
0xbc: {  	s0 =	sor.u32 s1, s0  }
0xbd: {  	s0 =	sadd.s32 $0x8F2B, s0  }
0xbe: {  	[sflag:s0] =	ssyncadd.remote.s32 $0x1  }
0xbf: {  	_ =	sfence.sel $0xFFFF  }
0xc0: {  	[dreg:$0x0] =	wrdreg $0xFFFFFFFF;
	(pc) =	sbr.abs _section_cstart, $3  }
0xc1: {  	[dreg:$0x1] =	wrdreg $0xFFFFFFFF  }
0xc2: {  	_ =	task.clear_ibuf [dreg:s7], $0x2FFFF;
	_ =	strace $0x9FFFFFFF  }
0xc3: {  	(tm) =	ssettm $0x7FFFFFFF  }
tec
execute0_lowered:
.L_overlay_start_1:
0x0: {  	(tag) =	ssettag $0x1  }
0x1: {  	s6 =	rddreg [dreg:$0x0]  }
0x2: {  	s2 =	rddreg [dreg:$0x1]  }
0x3: {  	s0 =	srdreg.scid;
	s3 =	rddreg [dreg:$0x2];
	s4 =	simm.s32 $0x0  }
0x4: {  	s16 =	simm.s32 $0x6800;
	s17 =	simm.s32 $0x2;
	s18 =	simm.s32 $0x3400  }
0x5: {  	s19 =	simm.s32 $0x64;
	s20 =	simm.s32 $0x1;
	s5 =	sand.u32 $0x1, s0  }
0x6: {  	s21 =	simm.s32 $0x0;
	s0 =	stileid.u32;
	s8 =	smul.u32 $0x140000, s5  }
0x7: {  	[smem:$0x7FF] =	sst s4;
	s1 =	sshll.u32 s5, $0x4;
	s9 =	smul.u32 $0x14000, s0  }
0x8: {  	s10 =	smul.u32 $0x50000, s0;
	s29 =	ssub.s32 $0x2, s5;
	s1 =	sor.u32 s0, s1  }
0x9: {  	s31 =	sshrl.u32 s29, $0x1;
	s7 =	smul.u32 $0x680, s1;
	s1 =	rddreg [dreg:$0x3]  }
0xa: {  	_ =	strace $0x80000047;
	s30 =	sshrl.u32 s10, $0x2;
	s15 =	ssub.s32 s29, s31  }
0xb: {  	s28 =	sadd.s32 s9, s8;
	s5 =	sadd.s32 s30, s3;
	s15 =	smax.u32 s15, $0x1  }
0xc: {  	s13 =	sadd.s32 s7, s6;
	s7 =	sshrl.u32 s28, $0x3;
	s8 =	sadd.s32 $0x9600, s5  }
0xd: {  	s9 =	sadd.s32 $0xC800, s5;
	s10 =	sadd.s32 $0xFA00, s5;
	s11 =	sadd.s32 $0x12C00, s5  }
0xe: {  	s14 =	sadd.s32 s7, s6;
	s6 =	sadd.s32 $0x3200, s5;
	s7 =	sadd.s32 $0x6400, s5  }
0xf: {  	v0 =	vimm.f32 $0.0e+00;
	s12 =	sadd.s32 $0xD400, s13;
	s13 =	sadd.s32 $0x400, s13;
	s14 =	sadd.s32 $0x1A400, s14  }
.LBB2_1:
0x10: {  	s22 =	sand.u32 $0xFE00, s4  }
0x11: {  	s23 =	sand.u32 $0x70, s4;
	s24 =	sshrl.u32 s22, $0x2  }
0x12: {  	s22 =	simm.s32 $0x40;
	s24 =	sor.u32 s23, s24;
	s23 =	simm.s32 $0x0  }
.LBB2_2:
0x13: {  	p0 =	sne.s32 s22, $0xC7C0  }
0x14: {  	[tilespmem:s24+$0x6800] =	vst v0;
	s23 =	sadd.s32 $0x10, s23;
	s24 =	smov.u32 s22;
	s22 =	sadd.s32 $0x40, s22  }
.Ltmp0:
0x15: {  	(pc) =	sbr.rel @p0 .LBB2_2-.Ltmp0, $4  }
0x16: {  	_ = 	snop  }
0x17: {  	s24 =	sand.u32 $0xFE00, s24  }
0x18: {  	s25 =	sand.u32 $0x70, s23;
	s24 =	sshrl.u32 s24, $0x2  }
0x19: {  	s24 =	sor.u32 s25, s24  }
0x1a: {  	[tilespmem:s24+$0x6800] =	vst v0  }
0x1b: {  	[spmem:s5] =	stream.linear.scatter [tilespmem:s16], [sflag:$0x2], $0x3200, $0x38;
	[tilespmem:$0x1DC00] =	vst v63  }
0x1c: {  	_ =	swait.ge [sflag:s17], $0x3200  }
0x1d: {  	[sflag:s17] =	ssyncset.done $0x0  }
0x1e: {  	[sflag:s17] =	ssyncadd.s32 $0xFFFFCE00  }
0x1f: {  	[spmem:s6] =	stream.linear.scatter [tilespmem:s16], [sflag:$0x2], $0x3200, $0x38;
	[tilespmem:$0x1DC00] =	vst v63  }
0x20: {  	_ =	swait.ge [sflag:s17], $0x3200  }
0x21: {  	[sflag:s17] =	ssyncset.done $0x0  }
0x22: {  	[sflag:s17] =	ssyncadd.s32 $0xFFFFCE00  }
0x23: {  	[spmem:s7] =	stream.linear.scatter [tilespmem:s16], [sflag:$0x2], $0x3200, $0x38;
	[tilespmem:$0x1DC00] =	vst v63  }
0x24: {  	_ =	swait.ge [sflag:s17], $0x3200  }
0x25: {  	[sflag:s17] =	ssyncset.done $0x0  }
0x26: {  	[sflag:s17] =	ssyncadd.s32 $0xFFFFCE00  }
0x27: {  	[spmem:s8] =	stream.linear.scatter [tilespmem:s16], [sflag:$0x2], $0x3200, $0x38;
	[tilespmem:$0x1DC00] =	vst v63  }
0x28: {  	_ =	swait.ge [sflag:s17], $0x3200  }
0x29: {  	[sflag:s17] =	ssyncset.done $0x0  }
0x2a: {  	[sflag:s17] =	ssyncadd.s32 $0xFFFFCE00  }
0x2b: {  	[spmem:s9] =	stream.linear.scatter [tilespmem:s16], [sflag:$0x2], $0x3200, $0x38;
	[tilespmem:$0x1DC00] =	vst v63  }
0x2c: {  	_ =	swait.ge [sflag:s17], $0x3200  }
0x2d: {  	[sflag:s17] =	ssyncset.done $0x0  }
0x2e: {  	[sflag:s17] =	ssyncadd.s32 $0xFFFFCE00  }
0x2f: {  	[spmem:s10] =	stream.linear.scatter [tilespmem:s16], [sflag:$0x2], $0x3200, $0x38;
	[tilespmem:$0x1DC00] =	vst v63  }
0x30: {  	_ =	swait.ge [sflag:s17], $0x3200  }
0x31: {  	[sflag:s17] =	ssyncset.done $0x0  }
0x32: {  	[sflag:s17] =	ssyncadd.s32 $0xFFFFCE00  }
0x33: {  	[spmem:s11] =	stream.linear.scatter [tilespmem:s16], [sflag:$0x2], $0x1400, $0x38;
	[tilespmem:$0x1DC00] =	vst v63  }
0x34: {  	_ =	swait.ge [sflag:s17], $0x1400  }
0x35: {  	[sflag:s17] =	ssyncset.done $0x0  }
0x36: {  	[sflag:s17] =	ssyncadd.s32 $0xFFFFEC00  }
0x37: {  	s22 =	simm.s32 $0x0;
	[bflag:$0x0] =	sbarrier.arrive $0xFFFF  }
0x38: {  	[tilespmem:s22], [sflag:$0x2] =	stream.linear.gather [hbm4b:s12+s22], $0x3200, $0x38;
	[tilespmem:$0x1DC00] =	vst v63  }
0x39: {  	_ =	swait.ge [sflag:s17], $0x3200  }
0x3a: {  	[sflag:s17] =	ssyncset.done $0x0  }
0x3b: {  	[sflag:s17] =	ssyncadd.s32 $0xFFFFCE00  }
0x3c: {  	[tilespmem:s18], [sflag:$0x2] =	stream.linear.gather [hbm4b:s13+s22], $0x3200, $0x38;
	[tilespmem:$0x1DC00] =	vst v63  }
0x3d: {  	_ =	swait.ge [sflag:s17], $0x3200  }
0x3e: {  	[sflag:s17] =	ssyncset.done $0x0  }
0x3f: {  	s30 =	simm.s32 $0x0;
	[sflag:s17] =	ssyncadd.s32 $0xFFFFCE00  }
0x40: {  	[tilespmem:s16], [sflag:$0x1] =	stream.indirect.gather [hbm4b:s2+s19], $0x80, s30, s19, $0xb8;
	[tilespmem:$0x1DC00] =	vst v63  }
0x41: {  	_ =	swait.ge [sflag:s20], $0x3200  }
0x42: {  	[sflag:s20] =	ssyncset.done $0x0  }
0x43: {  	s31 =	simm.s32 $0x3400;
	[sflag:s20] =	ssyncadd.s32 $0xFFFFCE00  }
0x44: {  	[spmem:s3] =	stream.indirect.scatter.add.f32 [tilespmem:s16], [sflag:$0x2], $0x80, s31, s19, $0xb8;
	[tilespmem:$0x1DC00] =	vst v63  }
0x45: {  	_ =	swait.ge [sflag:s17], $0x3200  }
0x46: {  	s23 =	simm.s32 $0x400;
	s22 =	simm.s32 $0x200;
	[sflag:s17] =	ssyncset.done $0x0  }
.LBB2_4:
0x47: {  	s24 =	sshra.s32 s22, $0x2  }
0x48: {  	[sflag:s17] =	ssyncadd.s32 $0xFFFFCE00;
	s22 =	smov.u32 s23;
	s25 =	sadd.s32 $0x200, s23  }
0x49: {  	[tilespmem:s16], [sflag:$0x1] =	stream.indirect.gather [hbm4b:s2+s19], $0x80, s24, s19, $0xb8;
	[tilespmem:$0x1DC00] =	vst v63  }
0x4a: {  	p0 =	sne.s32 s23, $0xC600;
	_ =	swait.ge [sflag:s20], $0x3200  }
.Ltmp1:
0x4b: {  	[sflag:s20] =	ssyncset.done $0x0;
	(pc) =	sbr.rel @p0 .LBB2_4-.Ltmp1, $4  }
0x4c: {  	s23 =	sadd.s32 $0x3400, s24;
	[sflag:s20] =	ssyncadd.s32 $0xFFFFCE00  }
0x4d: {  	[spmem:s3] =	stream.indirect.scatter.add.f32 [tilespmem:s16], [sflag:$0x2], $0x80, s23, s19, $0xb8;
	[tilespmem:$0x1DC00] =	vst v63  }
0x4e: {  	_ =	swait.ge [sflag:s17], $0x3200  }
0x4f: {  	s23 =	smov.u32 s25;
	[sflag:s17] =	ssyncset.done $0x0  }
0x50: {  	s22 =	sshra.s32 s22, $0x2;
	[sflag:s17] =	ssyncadd.s32 $0xFFFFCE00  }
0x51: {  	[tilespmem:s16], [sflag:$0x1] =	stream.indirect.gather [hbm4b:s2+s19], $0x80, s22, s19, $0xb8;
	[tilespmem:$0x1DC00] =	vst v63  }
0x52: {  	_ =	swait.ge [sflag:s20], $0x3200  }
0x53: {  	[sflag:s20] =	ssyncset.done $0x0  }
0x54: {  	s22 =	sadd.s32 $0x3400, s22;
	[sflag:s20] =	ssyncadd.s32 $0xFFFFCE00  }
0x55: {  	[spmem:s3] =	stream.indirect.scatter.add.f32 [tilespmem:s16], [sflag:$0x2], $0x80, s22, s19, $0xb8;
	[tilespmem:$0x1DC00] =	vst v63  }
0x56: {  	_ =	swait.ge [sflag:s17], $0x3200  }
0x57: {  	s31 =	sshll.u32 s0, $0x6;
	s21 =	sadd.s32 $0x1, s21;
	[sflag:s17] =	ssyncset.done $0x0  }
0x58: {  	s23 =	sshrl.u32 s5, $0x3;
	p0 =	sne.s32 s21, s15;
	[sflag:s17] =	ssyncadd.s32 $0xFFFFCE00  }
.Ltmp2:
0x59: {  	s22 =	sor.u32 $0x1C02, s31;
	[bflag:$0x0] =	sbarrier.arrive $0xFFFF;
	(pc) =	sbr.rel @p0 .LBB2_1-.Ltmp2, $4  }
0x5a: {  	[hbm:s14], [sflag:s22] =	dma.local [spmem:s23], $0x2800  }
0x5b: {  	_ =	swait.ge [sflag:s17], $0x2800  }
0x5c: {  	[sflag:s17] =	ssyncset.done $0x0  }
0x5d: {  	[sflag:s17] =	ssyncadd.s32 $0xFFFFD800  }
0x5e: {  	_ =	sfence.sel $0x180000  }
0x5f: {  	[bflag:$0x0] =	sbarrier.arrive $0xFFFF  }
0x60: {  	p0 =	sne.s32 s0, $0x0;
	_ =	strace $0x90000047  }
0x61: {  	s0 =	sadd.s32 @!p0 $0x100000, s1;
	[bflag:$0x2] =	sbarrier.arrive $0xFFFF  }
0x62: {  	[sflag:s0] =	ssyncadd.tile.s32 @!p0 $0x1;
	_ =	shalt  }
.Lfunc_end2:
_tile_overlayer_lowered:
.L_overlay_start_2:
0x63: {  	(tag) =	ssettag $0x2  }
0x64: {  	s0 =	rddreg [dreg:$0x0];
	s2 =	stileid.u32  }
0x65: {  	s1 =	rddreg [dreg:$0x1];
	p0 =	sne.s32 s2, $0x0  }
0x66: {  	s3 =	rddreg [dreg:$0x2];
	[bflag:$0x3] =	sbarrier.arrive $0xFFFF;
	s2 =	simm.s32 @!p0 $0x1C02  }
0x67: {  	[timem:s3], [sflag:s2] =	dma.local @!p0 [hbm:s0], s1  }
0x68: {  	s0 =	simm.s32 @!p0 $0x2  }
0x69: {  	_ =	swait.ge @!p0 [sflag:s0], s1  }
0x6a: {  	s1 =	ssub.s32 @!p0 $0x0, s1;
	[sflag:s0] =	ssyncset.done @!p0 $0x0  }
0x6b: {  	[sflag:s0] =	ssyncadd.s32 @!p0 s1  }
0x6c: {  	[bflag:$0x3] =	sbarrier.arrive $0xFFFF  }
0x6d: {  	_ =	shalt  }

</sc_bundles>
